<compile_context>
chip_gen: v7x
topology: tpu7x:2x2x1
jax: 0.10.2.dev20260603
libtpu: 0.0.44.dev20260713+nightly
codegen_flags: <defaults>
</compile_context>

<pallas_src>
import numpy as np

import jax
import jax.numpy as jnp
from jax import lax
from jax.experimental import pallas as pl
from jax.experimental.pallas import tpu as pltpu
from jax.experimental.pallas import tpu_sc as plsc

N = 10000
E = 320000
D_IN = 128
HID = 64
NUM_CLASSES = 4
NUM_GRAPHS = 64

NC = 2
NS = 16
NW = NC * NS

BLK = 128
NB = 80
EP = NW * NB * BLK
NP = 10112
TS = NP // NS

_HIGH = jax.lax.Precision.DEFAULT
_mesh = plsc.VectorSubcoreMesh(core_axis_name="c", subcore_axis_name="s")


def _wid():
  return lax.axis_index("s") * NC + lax.axis_index("c")


def _deg_kernel_body(dst_hbm, out_hbm, dstv, ones_v, zero_v, deg_sh, sem):
  cid = lax.axis_index("c")
  sid = lax.axis_index("s")
  w = _wid()

  @pl.loop(0, 8)
  def _(i):
    ones_v[pl.ds(i * 16, 16), :] = jnp.ones((16, 16), jnp.float32)
    zero_v[pl.ds(i * 16, 16), :] = jnp.zeros((16, 16), jnp.float32)

  @pl.loop(0, 4)
  def _(i):
    pltpu.sync_copy(zero_v, deg_sh.at[pl.ds(sid * TS + i * 128, 128)])
  pltpu.sync_copy(zero_v.at[pl.ds(0, TS - 512)],
                  deg_sh.at[pl.ds(sid * TS + 512, TS - 512)])

  pltpu.sync_copy(dst_hbm.at[pl.ds(w * NB, NB)], dstv)
  plsc.subcore_barrier()

  @pl.loop(0, NB)
  def _(j):
    pltpu.async_copy(ones_v, deg_sh.at[dstv.at[j]], sem, add=True)

    @pl.when(j >= 8)
    def _():
      pltpu.make_async_copy(ones_v, deg_sh.at[dstv.at[0]], sem).wait()

  for _i in range(8):
    pltpu.make_async_copy(ones_v, deg_sh.at[dstv.at[0]], sem).wait()
  plsc.subcore_barrier()
  pltpu.sync_copy(deg_sh.at[pl.ds(sid * TS, TS)],
                  out_hbm.at[cid, pl.ds(sid * TS, TS)])


@jax.jit
def _deg_call(dst2):
  f = pl.kernel(
      _deg_kernel_body,
      out_type=jax.ShapeDtypeStruct((NC, NP, 16), jnp.float32),
      mesh=_mesh,
      compiler_params=pltpu.CompilerParams(use_tc_tiling_on_sc=False),
      scratch_types=[
          pltpu.VMEM((NB, BLK), jnp.int32),
          pltpu.VMEM((BLK, 16), jnp.float32),
          pltpu.VMEM((BLK, 16), jnp.float32),
          pltpu.VMEM_SHARED((NP, 16), jnp.float32),
          pltpu.SemaphoreType.DMA,
      ],
  )
  return f(dst2)


NBUF = 8
LEAD = 4


def _agg_kernel_body(y_hbm, src_hbm, dst_hbm, out_hbm, srcv, dstv,
                     r0, r1, r2, r3, r4, r5, r6, r7,
                     z_sh,
                     g0, g1, g2, g3, g4, g5, g6, g7,
                     s0, s1, s2, s3, s4, s5, s6, s7):
  rows = (r0, r1, r2, r3, r4, r5, r6, r7)
  sg = (g0, g1, g2, g3, g4, g5, g6, g7)
  ss = (s0, s1, s2, s3, s4, s5, s6, s7)
  cid = lax.axis_index("c")
  sid = lax.axis_index("s")
  w = _wid()

  @pl.loop(0, 32)
  def _(i):
    r0[pl.ds(i * 4, 4), :] = jnp.zeros((4, HID), jnp.bfloat16)

  @pl.loop(0, 4)
  def _(i):
    pltpu.sync_copy(r0, z_sh.at[pl.ds(sid * TS + i * BLK, BLK)])
  pltpu.sync_copy(r0.at[pl.ds(0, TS - 4 * BLK)],
                  z_sh.at[pl.ds(sid * TS + 4 * BLK, TS - 4 * BLK)])

  pltpu.sync_copy(src_hbm.at[pl.ds(w * NB, NB)], srcv)
  pltpu.sync_copy(dst_hbm.at[pl.ds(w * NB, NB)], dstv)
  plsc.subcore_barrier()

  for b in range(LEAD):
    pltpu.async_copy(y_hbm.at[srcv.at[b]], rows[b], sg[b])

  @pl.loop(0, NB, step=NBUF)
  def _(z):
    for bb in range(NBUF):
      x = z + bb
      pltpu.make_async_copy(y_hbm.at[srcv.at[x]], rows[bb], sg[bb]).wait()
      pltpu.async_copy(rows[bb], z_sh.at[dstv.at[x]], ss[bb], add=True)
      rb = (bb + LEAD) % NBUF
      r = x + LEAD

      @pl.when((x >= LEAD) & (r < NB))
      def _():
        pltpu.make_async_copy(rows[rb], z_sh.at[dstv.at[0]], ss[rb]).wait()
        pltpu.async_copy(y_hbm.at[srcv.at[r]], rows[rb], sg[rb])

      @pl.when((x < LEAD) & (r < NB))
      def _():
        pltpu.async_copy(y_hbm.at[srcv.at[r]], rows[rb], sg[rb])

  for bb in range(NBUF):
    pltpu.make_async_copy(rows[bb], z_sh.at[dstv.at[0]], ss[bb]).wait()
  plsc.subcore_barrier()
  pltpu.sync_copy(z_sh.at[pl.ds(sid * TS, TS)],
                  out_hbm.at[cid, pl.ds(sid * TS, TS)])


@jax.jit
def _agg_call(y, src2, dst2):
  f = pl.kernel(
      _agg_kernel_body,
      out_type=jax.ShapeDtypeStruct((NC, NP, HID), jnp.bfloat16),
      mesh=_mesh,
      compiler_params=pltpu.CompilerParams(use_tc_tiling_on_sc=False),
      scratch_types=(
          [pltpu.VMEM((NB, BLK), jnp.int32)] * 2
          + [pltpu.VMEM((BLK, HID), jnp.bfloat16)] * 8
          + [pltpu.VMEM_SHARED((NP, HID), jnp.bfloat16)]
          + [pltpu.SemaphoreType.DMA] * 16
      ),
  )
  return f(y, src2, dst2)


_RB = 2000
_NG = N // _RB


def _combine1_body(degp_ref, x_ref, w1_ref, xw_ref, y_ref, dinv_ref):
  deg = degp_ref[0, :, 0:1] + degp_ref[1, :, 0:1] + 1.0
  dinv = lax.rsqrt(deg)
  xw = jnp.dot(x_ref[...], w1_ref[...], preferred_element_type=jnp.float32,
               precision=_HIGH)
  xw_ref[...] = xw
  y_ref[...] = (xw * dinv).astype(jnp.bfloat16)
  dinv_ref[...] = dinv


@jax.jit
def _combine1(degp, x, W1):
  return pl.pallas_call(
      _combine1_body,
      grid=(_NG,),
      in_specs=[
          pl.BlockSpec((2, _RB, 16), lambda i: (0, i, 0)),
          pl.BlockSpec((_RB, D_IN), lambda i: (i, 0)),
          pl.BlockSpec((D_IN, HID), lambda i: (0, 0)),
      ],
      out_specs=[
          pl.BlockSpec((_RB, HID), lambda i: (i, 0)),
          pl.BlockSpec((_RB, HID), lambda i: (i, 0)),
          pl.BlockSpec((_RB, 1), lambda i: (i, 0)),
      ],
      out_shape=[
          jax.ShapeDtypeStruct((N, HID), jnp.float32),
          jax.ShapeDtypeStruct((N, HID), jnp.bfloat16),
          jax.ShapeDtypeStruct((N, 1), jnp.float32),
      ],
  )(degp, x, W1)


def _combine2_body(zp_ref, xw1_ref, dinv_ref, b1_ref, w2_ref,
                   xw2_ref, y2_ref):
  dinv = dinv_ref[...]
  z = zp_ref[0].astype(jnp.float32) + zp_ref[1].astype(jnp.float32)
  h1 = jnp.maximum(z * dinv + xw1_ref[...] * (dinv * dinv) + b1_ref[...], 0.0)
  xw2 = jnp.dot(h1, w2_ref[...], preferred_element_type=jnp.float32,
                precision=_HIGH)
  xw2_ref[...] = xw2
  y2_ref[...] = (xw2 * dinv).astype(jnp.bfloat16)


@jax.jit
def _combine2(z1p, xw1, dinv, b1r, W2):
  return pl.pallas_call(
      _combine2_body,
      grid=(_NG,),
      in_specs=[
          pl.BlockSpec((2, _RB, HID), lambda i: (0, i, 0)),
          pl.BlockSpec((_RB, HID), lambda i: (i, 0)),
          pl.BlockSpec((_RB, 1), lambda i: (i, 0)),
          pl.BlockSpec((1, HID), lambda i: (0, 0)),
          pl.BlockSpec((HID, HID), lambda i: (0, 0)),
      ],
      out_specs=[
          pl.BlockSpec((_RB, HID), lambda i: (i, 0)),
          pl.BlockSpec((_RB, HID), lambda i: (i, 0)),
      ],
      out_shape=[
          jax.ShapeDtypeStruct((N, HID), jnp.float32),
          jax.ShapeDtypeStruct((N, HID), jnp.bfloat16),
      ],
  )(z1p, xw1, dinv, b1r, W2)


def _head_body(zp_ref, xw2_ref, dinv_ref, b2_ref, batch_ref,
               wfc1_ref, bfc1_ref, wfc2_ref, bfc2_ref, out_ref):
  dinv = dinv_ref[...]
  z = zp_ref[0].astype(jnp.float32) + zp_ref[1].astype(jnp.float32)
  h2 = jnp.maximum(z * dinv + xw2_ref[...] * (dinv * dinv) + b2_ref[...], 0.0)
  segt = (batch_ref[...] ==
          lax.broadcasted_iota(jnp.int32, (NUM_GRAPHS, N), 0)
          ).astype(jnp.float32)
  sums = jnp.dot(segt, h2, preferred_element_type=jnp.float32,
                 precision=_HIGH)
  counts = jnp.sum(segt, axis=1)[:, None]
  pooled = sums / jnp.maximum(counts, 1.0)
  hf = jnp.maximum(
      jnp.dot(pooled, wfc1_ref[...], preferred_element_type=jnp.float32,
              precision=_HIGH) + bfc1_ref[...], 0.0)
  out_ref[...] = jnp.dot(hf, wfc2_ref[...],
                         preferred_element_type=jnp.float32,
                         precision=_HIGH) + bfc2_ref[...]


@jax.jit
def _head(z2p, xw2, dinv, b2r, batch_r, Wfc1, bfc1r, Wfc2, bfc2r):
  return pl.pallas_call(
      _head_body,
      grid=(1,),
      in_specs=[
          pl.BlockSpec((2, N, HID), lambda i: (0, 0, 0)),
          pl.no_block_spec,
          pl.no_block_spec,
          pl.no_block_spec,
          pl.no_block_spec,
          pl.no_block_spec,
          pl.no_block_spec,
          pl.no_block_spec,
          pl.no_block_spec,
      ],
      out_specs=pl.BlockSpec((NUM_GRAPHS, NUM_CLASSES), lambda i: (0, 0)),
      out_shape=jax.ShapeDtypeStruct((NUM_GRAPHS, NUM_CLASSES), jnp.float32),
  )(z2p, xw2, dinv, b2r, batch_r, Wfc1, bfc1r, Wfc2, bfc2r)


_AR = np.arange(EP - E, dtype=np.int32)
_PAD_SRC = _AR % BLK
_PAD_DST = (N + (_AR % (NP - N))).astype(np.int32)


def kernel(x, edge_index, batch, W1, b1, W2, b2, Wfc1, bfc1, Wfc2, bfc2):
  src = edge_index[0]
  dst = edge_index[1]
  src2 = jnp.concatenate([src, _PAD_SRC]).reshape(EP // BLK, BLK)
  dst2 = jnp.concatenate([dst, _PAD_DST]).reshape(EP // BLK, BLK)

  degp = _deg_call(dst2)
  xw1, y1, dinv = _combine1(degp, x, W1)
  z1p = _agg_call(y1, src2, dst2)
  xw2, y2 = _combine2(z1p, xw1, dinv, b1.reshape(1, HID), W2)
  z2p = _agg_call(y2, src2, dst2)
  out = _head(z2p, xw2, dinv, b2.reshape(1, HID), batch.reshape(1, N),
              Wfc1, bfc1.reshape(1, 128), Wfc2,
              bfc2.reshape(1, NUM_CLASSES))
  return out

# --- scband reference (transcript-rebuilt; emitter-appended) ---
"""Pipeline reference for scband-gnnclassifier-19602230739293 (READ-ONLY COPY).

The authoritative reference and input builder live on the scoring server;
editing this copy changes nothing except your own understanding.
"""

import jax, jax.numpy as jnp
import numpy as np

N = 10000
E = 320000
D_IN = 128
HID = 64
NUM_CLASSES = 4
NUM_GRAPHS = 64


def setup_inputs(seed: int = 0) -> dict:
    key = jax.random.key(seed)
    ks = jax.random.split(key, 12)
    x = jax.random.normal(ks[0], (N, D_IN), dtype=jnp.float32)
    edge_index = jax.random.randint(ks[1], (2, E), 0, N, dtype=jnp.int32)
    batch = jnp.sort(jax.random.randint(ks[2], (N,), 0, NUM_GRAPHS, dtype=jnp.int32))
    W1 = jax.random.normal(ks[3], (D_IN, HID), dtype=jnp.float32) * 0.05
    b1 = jnp.zeros((HID,), dtype=jnp.float32)
    W2 = jax.random.normal(ks[4], (HID, HID), dtype=jnp.float32) * 0.05
    b2 = jnp.zeros((HID,), dtype=jnp.float32)
    Wfc1 = jax.random.normal(ks[5], (HID, 128), dtype=jnp.float32) * 0.05
    bfc1 = jnp.zeros((128,), dtype=jnp.float32)
    Wfc2 = jax.random.normal(ks[6], (128, NUM_CLASSES), dtype=jnp.float32) * 0.05
    bfc2 = jnp.zeros((NUM_CLASSES,), dtype=jnp.float32)
    return {"x": x, "edge_index": edge_index, "batch": batch,
            "W1": W1, "b1": b1, "W2": W2, "b2": b2,
            "Wfc1": Wfc1, "bfc1": bfc1, "Wfc2": Wfc2, "bfc2": bfc2}


def _gcn_conv(x, src, dst, W, b):
    # PyG GCNConv: add self-loops, symmetric normalization D^{-1/2}(A+I)D^{-1/2} X W + b
    n = x.shape[0]
    xw = x @ W
    deg = jnp.zeros((n,), x.dtype).at[dst].add(1.0) + 1.0  # +1 for self-loop
    dinv = jax.lax.rsqrt(deg)
    norm = dinv[src] * dinv[dst]
    msg = xw[src] * norm[:, None]
    agg = jnp.zeros_like(xw).at[dst].add(msg)
    agg = agg + xw * (dinv * dinv)[:, None]  # self-loop contribution
    return agg + b


def reference(x, edge_index, batch, W1, b1, W2, b2, Wfc1, bfc1, Wfc2, bfc2):
    src = edge_index[0]
    dst = edge_index[1]
    h = jax.nn.relu(_gcn_conv(x, src, dst, W1, b1))
    h = jax.nn.relu(_gcn_conv(h, src, dst, W2, b2))
    # global_mean_pool over batch assignments
    sums = jax.ops.segment_sum(h, batch, num_segments=NUM_GRAPHS)
    counts = jax.ops.segment_sum(jnp.ones((h.shape[0], 1), h.dtype), batch, num_segments=NUM_GRAPHS)
    pooled = sums / jnp.maximum(counts, 1.0)
    h = jax.nn.relu(pooled @ Wfc1 + bfc1)
    # dropout is identity in eval mode
    out = h @ Wfc2 + bfc2
    return out

if __name__ == "__main__":
    import jax
    _d = setup_inputs()
    print(jax.jit(kernel)(*tuple(_d.values())))

</pallas_src>

<mosaic_0001>
#map = affine_map<(d0, d1) -> (0, 0)>
#map1 = affine_map<(d0, d1) -> (0, 0, 0)>
module attributes {stable_mosaic.version = 14 : i64} {
  func.func @_deg_kernel_body(%arg0: i32, %arg1: i32, %arg2: memref<2560x128xi32, #tpu.memory_space<hbm>>, %arg3: memref<2x10112x16xf32, #tpu.memory_space<hbm>>, %arg4: memref<80x128xi32, #tpu.memory_space<vmem>>, %arg5: memref<128x16xf32, #tpu.memory_space<vmem>>, %arg6: memref<128x16xf32, #tpu.memory_space<vmem>>, %arg7: memref<10112x16xf32, #tpu.memory_space<vmem_shared>>, %arg8: memref<!tpu.dma_semaphore, #tpu.memory_space<semaphore_mem>>) attributes {dimension_semantics = [#tpu.dimension_semantics<core_parallel>, #tpu.dimension_semantics<subcore_parallel>], iteration_bounds = array<i64: 2, 16>, scalar_prefetch = 0 : i64, scratch_operands = 5 : i64, tpu.core_type = #tpu.core_type<sc_vector_subcore>, window_params = [{transform_indices = #map}, {transform_indices = #map1}]} {
    %mul3A = arith.constant 2 : i32
    %mul3A_0 = arith.muli %arg1, %mul3A : i32
    %add3A = arith.addi %mul3A_0, %arg0 : i32
    %scan3A = arith.constant 0 : i32
    %scan3A_1 = arith.constant 8 : i32
    %scan3A_2 = arith.addi %scan3A, %scan3A_1 : i32
    %scan3A_3 = arith.constant 1 : i32
    scf.for %scan3A_81 = %scan3A to %scan3A_2 step %scan3A_3  : i32 {
      %mul3A_82 = arith.constant 1 : i32
      %mul3A_83 = arith.muli %scan3A_81, %mul3A_82 : i32
      %add3A_84 = arith.constant 0 : i32
      %add3A_85 = arith.addi %add3A_84, %mul3A_83 : i32
      %broadcast_in_dim3A = arith.constant 1.000000e+00 : f32
      %broadcast_in_dim3A_86 = vector.broadcast %broadcast_in_dim3A : f32 to vector<16x16xf32>
      %mul3A_87 = arith.constant 16 : i32
      %mul3A_88 = arith.muli %add3A_85, %mul3A_87 : i32
      %swap3A = arith.index_cast %mul3A_88 : i32 to index
      %swap3A_89 = arith.constant 0 : index
      %swap3A_90 = tpu.vector_load %arg5[%swap3A, %swap3A_89] {strides = array<i32>} : memref<128x16xf32, #tpu.memory_space<vmem>>, vector<16x16xf32>,
      %swap3A_91 = vector.shape_cast %swap3A_90 : vector<16x16xf32> to vector<16x16xf32>
      %swap3A_92 = vector.shape_cast %broadcast_in_dim3A_86 : vector<16x16xf32> to vector<16x16xf32>
      tpu.vector_store %arg5[%swap3A, %swap3A_89], %swap3A_92 {strides = array<i32>} : memref<128x16xf32, #tpu.memory_space<vmem>>, vector<16x16xf32>,
      %broadcast_in_dim3A_93 = arith.constant 0.000000e+00 : f32
      %broadcast_in_dim3A_94 = vector.broadcast %broadcast_in_dim3A_93 : f32 to vector<16x16xf32>
      %mul3A_95 = arith.constant 16 : i32
      %mul3A_96 = arith.muli %add3A_85, %mul3A_95 : i32
      %swap3A_97 = arith.index_cast %mul3A_96 : i32 to index
      %swap3A_98 = arith.constant 0 : index
      %swap3A_99 = tpu.vector_load %arg6[%swap3A_97, %swap3A_98] {strides = array<i32>} : memref<128x16xf32, #tpu.memory_space<vmem>>, vector<16x16xf32>,
      %swap3A_100 = vector.shape_cast %swap3A_99 : vector<16x16xf32> to vector<16x16xf32>
      %swap3A_101 = vector.shape_cast %broadcast_in_dim3A_94 : vector<16x16xf32> to vector<16x16xf32>
      tpu.vector_store %arg6[%swap3A_97, %swap3A_98], %swap3A_101 {strides = array<i32>} : memref<128x16xf32, #tpu.memory_space<vmem>>, vector<16x16xf32>,
    }
    %scan3A_4 = arith.constant 8 : i32
    %scan3A_5 = arith.constant 0 : i32
    %scan3A_6 = arith.constant 4 : i32
    %scan3A_7 = arith.addi %scan3A_5, %scan3A_6 : i32
    %scan3A_8 = arith.constant 1 : i32
    scf.for %scan3A_81 = %scan3A_5 to %scan3A_7 step %scan3A_8  : i32 {
      %mul3A_82 = arith.constant 1 : i32
      %mul3A_83 = arith.muli %scan3A_81, %mul3A_82 : i32
      %add3A_84 = arith.constant 0 : i32
      %add3A_85 = arith.addi %add3A_84, %mul3A_83 : i32
      %mul3A_86 = arith.constant 632 : i32
      %mul3A_87 = arith.muli %arg1, %mul3A_86 : i32
      %mul3A_88 = arith.constant 128 : i32
      %mul3A_89 = arith.muli %add3A_85, %mul3A_88 : i32
      %add3A_90 = arith.addi %mul3A_87, %mul3A_89 : i32
      "tpu.region"() ({
        %run_scoped3A = tpu.sem_alloc : memref<!tpu.dma_semaphore, #tpu.memory_space<semaphore_mem>>
        %dma_start3A = arith.constant 0 : i32
        %dma_start3A_91 = tpu.memref_slice %arg7[%add3A_90, %dma_start3A] : memref<10112x16xf32, #tpu.memory_space<vmem_shared>> -> memref<128x16xf32, #tpu.memory_space<vmem_shared>>
        %dma_start3A_92 = arith.constant 0 : i32
        %dma_start3A_93 = tpu.memref_slice %arg7[%add3A_90, %dma_start3A_92] : memref<10112x16xf32, #tpu.memory_space<vmem_shared>> -> memref<128x16xf32, #tpu.memory_space<vmem_shared>>
        tpu.enqueue_dma source(%arg6 : memref<128x16xf32, #tpu.memory_space<vmem>>) target(%dma_start3A_93 : memref<128x16xf32, #tpu.memory_space<vmem_shared>>) target_semaphore(%run_scoped3A : memref<!tpu.dma_semaphore, #tpu.memory_space<semaphore_mem>>)
        %dma_wait3A_94 = arith.constant 0 : i32
        %dma_wait3A_95 = tpu.memref_slice %arg7[%add3A_90, %dma_wait3A_94] : memref<10112x16xf32, #tpu.memory_space<vmem_shared>> -> memref<128x16xf32, #tpu.memory_space<vmem_shared>>
        %dma_wait3A_96 = arith.constant 0 : i32
        %dma_wait3A_97 = tpu.memref_slice %arg7[%add3A_90, %dma_wait3A_96] : memref<10112x16xf32, #tpu.memory_space<vmem_shared>> -> memref<128x16xf32, #tpu.memory_space<vmem_shared>>
        tpu.wait_dma2 semaphore(%run_scoped3A : memref<!tpu.dma_semaphore, #tpu.memory_space<semaphore_mem>>) src(%arg6 : memref<128x16xf32, #tpu.memory_space<vmem>>) dst(%dma_wait3A_97 : memref<128x16xf32, #tpu.memory_space<vmem_shared>>)
        tpu.yield
      }) : () -> ()
    }
    %scan3A_9 = arith.constant 4 : i32
    %mul3A_10 = arith.constant 632 : i32
    %mul3A_11 = arith.muli %arg1, %mul3A_10 : i32
    %add3A_12 = arith.constant 512 : i32
    %add3A_13 = arith.addi %mul3A_11, %add3A_12 : i32
    "tpu.region"() ({
      %run_scoped3A = tpu.sem_alloc : memref<!tpu.dma_semaphore, #tpu.memory_space<semaphore_mem>>
      %dma_start3A = arith.constant 0 : i32
      %dma_start3A_81 = arith.constant 0 : i32
      %dma_start3A_82 = tpu.memref_slice %arg6[%dma_start3A, %dma_start3A_81] : memref<128x16xf32, #tpu.memory_space<vmem>> -> memref<120x16xf32, #tpu.memory_space<vmem>>
      %dma_start3A_83 = arith.constant 0 : i32
      %dma_start3A_84 = tpu.memref_slice %arg7[%add3A_13, %dma_start3A_83] : memref<10112x16xf32, #tpu.memory_space<vmem_shared>> -> memref<120x16xf32, #tpu.memory_space<vmem_shared>>
      %dma_start3A_85 = arith.constant 0 : i32
      %dma_start3A_86 = tpu.memref_slice %arg7[%add3A_13, %dma_start3A_85] : memref<10112x16xf32, #tpu.memory_space<vmem_shared>> -> memref<120x16xf32, #tpu.memory_space<vmem_shared>>
      %dma_start3A_87 = arith.constant 0 : i32
      %dma_start3A_88 = arith.constant 0 : i32
      %dma_start3A_89 = tpu.memref_slice %arg6[%dma_start3A_87, %dma_start3A_88] : memref<128x16xf32, #tpu.memory_space<vmem>> -> memref<120x16xf32, #tpu.memory_space<vmem>>
      tpu.enqueue_dma source(%dma_start3A_89 : memref<120x16xf32, #tpu.memory_space<vmem>>) target(%dma_start3A_86 : memref<120x16xf32, #tpu.memory_space<vmem_shared>>) target_semaphore(%run_scoped3A : memref<!tpu.dma_semaphore, #tpu.memory_space<semaphore_mem>>)
      %dma_wait3A_90 = arith.constant 0 : i32
      %dma_wait3A_91 = arith.constant 0 : i32
      %dma_wait3A_92 = tpu.memref_slice %arg6[%dma_wait3A_90, %dma_wait3A_91] : memref<128x16xf32, #tpu.memory_space<vmem>> -> memref<120x16xf32, #tpu.memory_space<vmem>>
      %dma_wait3A_93 = arith.constant 0 : i32
      %dma_wait3A_94 = tpu.memref_slice %arg7[%add3A_13, %dma_wait3A_93] : memref<10112x16xf32, #tpu.memory_space<vmem_shared>> -> memref<120x16xf32, #tpu.memory_space<vmem_shared>>
      %dma_wait3A_95 = arith.constant 0 : i32
      %dma_wait3A_96 = tpu.memref_slice %arg7[%add3A_13, %dma_wait3A_95] : memref<10112x16xf32, #tpu.memory_space<vmem_shared>> -> memref<120x16xf32, #tpu.memory_space<vmem_shared>>
      %dma_wait3A_97 = arith.constant 0 : i32
      %dma_wait3A_98 = arith.constant 0 : i32
      %dma_wait3A_99 = tpu.memref_slice %arg6[%dma_wait3A_97, %dma_wait3A_98] : memref<128x16xf32, #tpu.memory_space<vmem>> -> memref<120x16xf32, #tpu.memory_space<vmem>>
      tpu.wait_dma2 semaphore(%run_scoped3A : memref<!tpu.dma_semaphore, #tpu.memory_space<semaphore_mem>>) src(%dma_wait3A_99 : memref<120x16xf32, #tpu.memory_space<vmem>>) dst(%dma_wait3A_96 : memref<120x16xf32, #tpu.memory_space<vmem_shared>>)
      tpu.yield
    }) : () -> ()
    %mul3A_14 = arith.constant 80 : i32
    %mul3A_15 = arith.muli %add3A, %mul3A_14 : i32
    "tpu.region"() ({
      %run_scoped3A = tpu.sem_alloc : memref<!tpu.dma_semaphore, #tpu.memory_space<semaphore_mem>>
      %dma_start3A = arith.constant 0 : i32
      %dma_start3A_81 = tpu.memref_slice %arg2[%mul3A_15, %dma_start3A] : memref<2560x128xi32, #tpu.memory_space<hbm>> -> memref<80x128xi32, #tpu.memory_space<hbm>>
      %dma_start3A_82 = arith.constant 0 : i32
      %dma_start3A_83 = tpu.memref_slice %arg2[%mul3A_15, %dma_start3A_82] : memref<2560x128xi32, #tpu.memory_space<hbm>> -> memref<80x128xi32, #tpu.memory_space<hbm>>
      tpu.enqueue_dma source(%dma_start3A_83 : memref<80x128xi32, #tpu.memory_space<hbm>>) target(%arg4 : memref<80x128xi32, #tpu.memory_space<vmem>>) target_semaphore(%run_scoped3A : memref<!tpu.dma_semaphore, #tpu.memory_space<semaphore_mem>>)
      %dma_wait3A_84 = arith.constant 0 : i32
      %dma_wait3A_85 = tpu.memref_slice %arg2[%mul3A_15, %dma_wait3A_84] : memref<2560x128xi32, #tpu.memory_space<hbm>> -> memref<80x128xi32, #tpu.memory_space<hbm>>
      %dma_wait3A_86 = arith.constant 0 : i32
      %dma_wait3A_87 = tpu.memref_slice %arg2[%mul3A_15, %dma_wait3A_86] : memref<2560x128xi32, #tpu.memory_space<hbm>> -> memref<80x128xi32, #tpu.memory_space<hbm>>
      tpu.wait_dma2 semaphore(%run_scoped3A : memref<!tpu.dma_semaphore, #tpu.memory_space<semaphore_mem>>) src(%dma_wait3A_87 : memref<80x128xi32, #tpu.memory_space<hbm>>) dst(%arg4 : memref<80x128xi32, #tpu.memory_space<vmem>>)
      tpu.yield
    }) : () -> ()
    %barrier3A = arith.constant 0 : index
    tpu.barrier barrier_id(%barrier3A)
    %scan3A_16 = arith.constant 0 : i32
    %scan3A_17 = arith.constant 80 : i32
    %scan3A_18 = arith.addi %scan3A_16, %scan3A_17 : i32
    %scan3A_19 = arith.constant 1 : i32
    scf.for %scan3A_81 = %scan3A_16 to %scan3A_18 step %scan3A_19  : i32 {
      %mul3A_82 = arith.constant 1 : i32
      %mul3A_83 = arith.muli %scan3A_81, %mul3A_82 : i32
      %add3A_84 = arith.constant 0 : i32
      %add3A_85 = arith.addi %add3A_84, %mul3A_83 : i32
      %dma_start3A = arith.constant 0 : i32
      %dma_start3A_86 = tpu.memref_slice %arg4[%add3A_85, %dma_start3A] : memref<80x128xi32, #tpu.memory_space<vmem>> -> memref<1x128xi32, #tpu.memory_space<vmem>>
      %dma_start3A_87 = tpu.memref_squeeze %dma_start3A_86 : memref<1x128xi32, #tpu.memory_space<vmem>> -> memref<128xi32, #tpu.memory_space<vmem>>
      %dma_start3A_88 = arith.constant 0 : i32
      %dma_start3A_89 = arith.constant 0 : i32
      %dma_start3A_90 = tpu.memref_slice %arg7[%dma_start3A_88, %dma_start3A_89] : memref<10112x16xf32, #tpu.memory_space<vmem_shared>> -> memref<10112x16xf32, #tpu.memory_space<vmem_shared>>
      tpu.enqueue_indirect_dma source(%arg5 : memref<128x16xf32, #tpu.memory_space<vmem>>) target(%dma_start3A_90 : memref<10112x16xf32, #tpu.memory_space<vmem_shared>>) offsets(%dma_start3A_87 : memref<128xi32, #tpu.memory_space<vmem>>) semaphore(%arg8 : memref<!tpu.dma_semaphore, #tpu.memory_space<semaphore_mem>>) {add = true}
      %ge3A = arith.constant 8 : i32
      %ge3A_91 = arith.cmpi sge, %add3A_85, %ge3A : i32
      %convert_element_type3A = arith.extui %ge3A_91 : i1 to i32
      %cond3A = arith.constant 0 : i32
      %cond3A_92 = arith.cmpi ne, %convert_element_type3A, %cond3A : i32
      scf.if %cond3A_92 {
        %dma_wait3A_93 = arith.constant 0 : i32
        %dma_wait3A_94 = arith.constant 0 : i32
        %dma_wait3A_95 = tpu.memref_slice %arg4[%dma_wait3A_93, %dma_wait3A_94] : memref<80x128xi32, #tpu.memory_space<vmem>> -> memref<1x128xi32, #tpu.memory_space<vmem>>
        %dma_wait3A_96 = tpu.memref_squeeze %dma_wait3A_95 : memref<1x128xi32, #tpu.memory_space<vmem>> -> memref<128xi32, #tpu.memory_space<vmem>>
        %dma_wait3A_97 = arith.constant 0 : i32
        %dma_wait3A_98 = arith.constant 0 : i32
        %dma_wait3A_99 = tpu.memref_slice %arg7[%dma_wait3A_97, %dma_wait3A_98] : memref<10112x16xf32, #tpu.memory_space<vmem_shared>> -> memref<10112x16xf32, #tpu.memory_space<vmem_shared>>
        tpu.wait_indirect_dma semaphore(%arg8 : memref<!tpu.dma_semaphore, #tpu.memory_space<semaphore_mem>>) src(%arg5 : memref<128x16xf32, #tpu.memory_space<vmem>>) dst(%dma_wait3A_99 : memref<10112x16xf32, #tpu.memory_space<vmem_shared>>)
      } else {
      }
    }
    %scan3A_20 = arith.constant 80 : i32
    %dma_wait3A = arith.constant 0 : i32
    %dma_wait3A_21 = arith.constant 0 : i32
    %dma_wait3A_22 = tpu.memref_slice %arg4[%dma_wait3A, %dma_wait3A_21] : memref<80x128xi32, #tpu.memory_space<vmem>> -> memref<1x128xi32, #tpu.memory_space<vmem>>
    %dma_wait3A_23 = tpu.memref_squeeze %dma_wait3A_22 : memref<1x128xi32, #tpu.memory_space<vmem>> -> memref<128xi32, #tpu.memory_space<vmem>>
    %dma_wait3A_24 = arith.constant 0 : i32
    %dma_wait3A_25 = arith.constant 0 : i32
    %dma_wait3A_26 = tpu.memref_slice %arg7[%dma_wait3A_24, %dma_wait3A_25] : memref<10112x16xf32, #tpu.memory_space<vmem_shared>> -> memref<10112x16xf32, #tpu.memory_space<vmem_shared>>
    tpu.wait_indirect_dma semaphore(%arg8 : memref<!tpu.dma_semaphore, #tpu.memory_space<semaphore_mem>>) src(%arg5 : memref<128x16xf32, #tpu.memory_space<vmem>>) dst(%dma_wait3A_26 : memref<10112x16xf32, #tpu.memory_space<vmem_shared>>)
    %dma_wait3A_27 = arith.constant 0 : i32
    %dma_wait3A_28 = arith.constant 0 : i32
    %dma_wait3A_29 = tpu.memref_slice %arg4[%dma_wait3A_27, %dma_wait3A_28] : memref<80x128xi32, #tpu.memory_space<vmem>> -> memref<1x128xi32, #tpu.memory_space<vmem>>
    %dma_wait3A_30 = tpu.memref_squeeze %dma_wait3A_29 : memref<1x128xi32, #tpu.memory_space<vmem>> -> memref<128xi32, #tpu.memory_space<vmem>>
    %dma_wait3A_31 = arith.constant 0 : i32
    %dma_wait3A_32 = arith.constant 0 : i32
    %dma_wait3A_33 = tpu.memref_slice %arg7[%dma_wait3A_31, %dma_wait3A_32] : memref<10112x16xf32, #tpu.memory_space<vmem_shared>> -> memref<10112x16xf32, #tpu.memory_space<vmem_shared>>
    tpu.wait_indirect_dma semaphore(%arg8 : memref<!tpu.dma_semaphore, #tpu.memory_space<semaphore_mem>>) src(%arg5 : memref<128x16xf32, #tpu.memory_space<vmem>>) dst(%dma_wait3A_33 : memref<10112x16xf32, #tpu.memory_space<vmem_shared>>)
    %dma_wait3A_34 = arith.constant 0 : i32
    %dma_wait3A_35 = arith.constant 0 : i32
    %dma_wait3A_36 = tpu.memref_slice %arg4[%dma_wait3A_34, %dma_wait3A_35] : memref<80x128xi32, #tpu.memory_space<vmem>> -> memref<1x128xi32, #tpu.memory_space<vmem>>
    %dma_wait3A_37 = tpu.memref_squeeze %dma_wait3A_36 : memref<1x128xi32, #tpu.memory_space<vmem>> -> memref<128xi32, #tpu.memory_space<vmem>>
    %dma_wait3A_38 = arith.constant 0 : i32
    %dma_wait3A_39 = arith.constant 0 : i32
    %dma_wait3A_40 = tpu.memref_slice %arg7[%dma_wait3A_38, %dma_wait3A_39] : memref<10112x16xf32, #tpu.memory_space<vmem_shared>> -> memref<10112x16xf32, #tpu.memory_space<vmem_shared>>
    tpu.wait_indirect_dma semaphore(%arg8 : memref<!tpu.dma_semaphore, #tpu.memory_space<semaphore_mem>>) src(%arg5 : memref<128x16xf32, #tpu.memory_space<vmem>>) dst(%dma_wait3A_40 : memref<10112x16xf32, #tpu.memory_space<vmem_shared>>)
    %dma_wait3A_41 = arith.constant 0 : i32
    %dma_wait3A_42 = arith.constant 0 : i32
    %dma_wait3A_43 = tpu.memref_slice %arg4[%dma_wait3A_41, %dma_wait3A_42] : memref<80x128xi32, #tpu.memory_space<vmem>> -> memref<1x128xi32, #tpu.memory_space<vmem>>
    %dma_wait3A_44 = tpu.memref_squeeze %dma_wait3A_43 : memref<1x128xi32, #tpu.memory_space<vmem>> -> memref<128xi32, #tpu.memory_space<vmem>>
    %dma_wait3A_45 = arith.constant 0 : i32
    %dma_wait3A_46 = arith.constant 0 : i32
    %dma_wait3A_47 = tpu.memref_slice %arg7[%dma_wait3A_45, %dma_wait3A_46] : memref<10112x16xf32, #tpu.memory_space<vmem_shared>> -> memref<10112x16xf32, #tpu.memory_space<vmem_shared>>
    tpu.wait_indirect_dma semaphore(%arg8 : memref<!tpu.dma_semaphore, #tpu.memory_space<semaphore_mem>>) src(%arg5 : memref<128x16xf32, #tpu.memory_space<vmem>>) dst(%dma_wait3A_47 : memref<10112x16xf32, #tpu.memory_space<vmem_shared>>)
    %dma_wait3A_48 = arith.constant 0 : i32
    %dma_wait3A_49 = arith.constant 0 : i32
    %dma_wait3A_50 = tpu.memref_slice %arg4[%dma_wait3A_48, %dma_wait3A_49] : memref<80x128xi32, #tpu.memory_space<vmem>> -> memref<1x128xi32, #tpu.memory_space<vmem>>
    %dma_wait3A_51 = tpu.memref_squeeze %dma_wait3A_50 : memref<1x128xi32, #tpu.memory_space<vmem>> -> memref<128xi32, #tpu.memory_space<vmem>>
    %dma_wait3A_52 = arith.constant 0 : i32
    %dma_wait3A_53 = arith.constant 0 : i32
    %dma_wait3A_54 = tpu.memref_slice %arg7[%dma_wait3A_52, %dma_wait3A_53] : memref<10112x16xf32, #tpu.memory_space<vmem_shared>> -> memref<10112x16xf32, #tpu.memory_space<vmem_shared>>
    tpu.wait_indirect_dma semaphore(%arg8 : memref<!tpu.dma_semaphore, #tpu.memory_space<semaphore_mem>>) src(%arg5 : memref<128x16xf32, #tpu.memory_space<vmem>>) dst(%dma_wait3A_54 : memref<10112x16xf32, #tpu.memory_space<vmem_shared>>)
    %dma_wait3A_55 = arith.constant 0 : i32
    %dma_wait3A_56 = arith.constant 0 : i32
    %dma_wait3A_57 = tpu.memref_slice %arg4[%dma_wait3A_55, %dma_wait3A_56] : memref<80x128xi32, #tpu.memory_space<vmem>> -> memref<1x128xi32, #tpu.memory_space<vmem>>
    %dma_wait3A_58 = tpu.memref_squeeze %dma_wait3A_57 : memref<1x128xi32, #tpu.memory_space<vmem>> -> memref<128xi32, #tpu.memory_space<vmem>>
    %dma_wait3A_59 = arith.constant 0 : i32
    %dma_wait3A_60 = arith.constant 0 : i32
    %dma_wait3A_61 = tpu.memref_slice %arg7[%dma_wait3A_59, %dma_wait3A_60] : memref<10112x16xf32, #tpu.memory_space<vmem_shared>> -> memref<10112x16xf32, #tpu.memory_space<vmem_shared>>
    tpu.wait_indirect_dma semaphore(%arg8 : memref<!tpu.dma_semaphore, #tpu.memory_space<semaphore_mem>>) src(%arg5 : memref<128x16xf32, #tpu.memory_space<vmem>>) dst(%dma_wait3A_61 : memref<10112x16xf32, #tpu.memory_space<vmem_shared>>)
    %dma_wait3A_62 = arith.constant 0 : i32
    %dma_wait3A_63 = arith.constant 0 : i32
    %dma_wait3A_64 = tpu.memref_slice %arg4[%dma_wait3A_62, %dma_wait3A_63] : memref<80x128xi32, #tpu.memory_space<vmem>> -> memref<1x128xi32, #tpu.memory_space<vmem>>
    %dma_wait3A_65 = tpu.memref_squeeze %dma_wait3A_64 : memref<1x128xi32, #tpu.memory_space<vmem>> -> memref<128xi32, #tpu.memory_space<vmem>>
    %dma_wait3A_66 = arith.constant 0 : i32
    %dma_wait3A_67 = arith.constant 0 : i32
    %dma_wait3A_68 = tpu.memref_slice %arg7[%dma_wait3A_66, %dma_wait3A_67] : memref<10112x16xf32, #tpu.memory_space<vmem_shared>> -> memref<10112x16xf32, #tpu.memory_space<vmem_shared>>
    tpu.wait_indirect_dma semaphore(%arg8 : memref<!tpu.dma_semaphore, #tpu.memory_space<semaphore_mem>>) src(%arg5 : memref<128x16xf32, #tpu.memory_space<vmem>>) dst(%dma_wait3A_68 : memref<10112x16xf32, #tpu.memory_space<vmem_shared>>)
    %dma_wait3A_69 = arith.constant 0 : i32
    %dma_wait3A_70 = arith.constant 0 : i32
    %dma_wait3A_71 = tpu.memref_slice %arg4[%dma_wait3A_69, %dma_wait3A_70] : memref<80x128xi32, #tpu.memory_space<vmem>> -> memref<1x128xi32, #tpu.memory_space<vmem>>
    %dma_wait3A_72 = tpu.memref_squeeze %dma_wait3A_71 : memref<1x128xi32, #tpu.memory_space<vmem>> -> memref<128xi32, #tpu.memory_space<vmem>>
    %dma_wait3A_73 = arith.constant 0 : i32
    %dma_wait3A_74 = arith.constant 0 : i32
    %dma_wait3A_75 = tpu.memref_slice %arg7[%dma_wait3A_73, %dma_wait3A_74] : memref<10112x16xf32, #tpu.memory_space<vmem_shared>> -> memref<10112x16xf32, #tpu.memory_space<vmem_shared>>
    tpu.wait_indirect_dma semaphore(%arg8 : memref<!tpu.dma_semaphore, #tpu.memory_space<semaphore_mem>>) src(%arg5 : memref<128x16xf32, #tpu.memory_space<vmem>>) dst(%dma_wait3A_75 : memref<10112x16xf32, #tpu.memory_space<vmem_shared>>)
    %barrier3A_76 = arith.constant 0 : index
    tpu.barrier barrier_id(%barrier3A_76)
    %mul3A_77 = arith.constant 632 : i32
    %mul3A_78 = arith.muli %arg1, %mul3A_77 : i32
    %mul3A_79 = arith.constant 632 : i32
    %mul3A_80 = arith.muli %arg1, %mul3A_79 : i32
    "tpu.region"() ({
      %run_scoped3A = tpu.sem_alloc : memref<!tpu.dma_semaphore, #tpu.memory_space<semaphore_mem>>
      %dma_start3A = arith.constant 0 : i32
      %dma_start3A_81 = tpu.memref_slice %arg3[%arg0, %mul3A_80, %dma_start3A] : memref<2x10112x16xf32, #tpu.memory_space<hbm>> -> memref<1x632x16xf32, #tpu.memory_space<hbm>>
      %dma_start3A_82 = tpu.memref_squeeze %dma_start3A_81 : memref<1x632x16xf32, #tpu.memory_space<hbm>> -> memref<632x16xf32, #tpu.memory_space<hbm>>
      %dma_start3A_83 = arith.constant 0 : i32
      %dma_start3A_84 = tpu.memref_slice %arg7[%mul3A_78, %dma_start3A_83] : memref<10112x16xf32, #tpu.memory_space<vmem_shared>> -> memref<632x16xf32, #tpu.memory_space<vmem_shared>>
      tpu.enqueue_dma source(%dma_start3A_84 : memref<632x16xf32, #tpu.memory_space<vmem_shared>>) target(%dma_start3A_82 : memref<632x16xf32, #tpu.memory_space<hbm>>) target_semaphore(%run_scoped3A : memref<!tpu.dma_semaphore, #tpu.memory_space<semaphore_mem>>)
      %dma_wait3A_85 = arith.constant 0 : i32
      %dma_wait3A_86 = tpu.memref_slice %arg3[%arg0, %mul3A_80, %dma_wait3A_85] : memref<2x10112x16xf32, #tpu.memory_space<hbm>> -> memref<1x632x16xf32, #tpu.memory_space<hbm>>
      %dma_wait3A_87 = tpu.memref_squeeze %dma_wait3A_86 : memref<1x632x16xf32, #tpu.memory_space<hbm>> -> memref<632x16xf32, #tpu.memory_space<hbm>>
      %dma_wait3A_88 = arith.constant 0 : i32
      %dma_wait3A_89 = tpu.memref_slice %arg7[%mul3A_78, %dma_wait3A_88] : memref<10112x16xf32, #tpu.memory_space<vmem_shared>> -> memref<632x16xf32, #tpu.memory_space<vmem_shared>>
      tpu.wait_dma2 semaphore(%run_scoped3A : memref<!tpu.dma_semaphore, #tpu.memory_space<semaphore_mem>>) src(%dma_wait3A_89 : memref<632x16xf32, #tpu.memory_space<vmem_shared>>) dst(%dma_wait3A_87 : memref<632x16xf32, #tpu.memory_space<hbm>>)
      tpu.yield
    }) : () -> ()
    return
  }
}

</mosaic_0001>

<sc_bundles>
// kernel: _deg_call.3.cloned.1.call-start
scs
__scs_entry_jumppad:
0x0: {  	(pc) =	sbr.rel $0x88, $3  }
0x1: {  	(tag) =	ssettag $0x0;
	lr =	simm.s32 $0x1  }
0x2: {  	[smem:$0x3FA0] =	sst lr;
	_ =	strace $0xD0000000  }
0x3: {  	_ = 	snop  }
0x4: {  	_ = 	snop  }
0x5: {  	_ = 	snop  }
0x6: {  	_ = 	snop  }
0x7: {  	_ = 	snop  }
__scs_overlays_trampoline_lowered:
0x8: {  	[smem:$0x3FAF] =	sst s0  }
0x9: {  	[smem:$0x3FB0] =	sst s1  }
0xa: {  	[smem:$0x3FB1] =	sst s2  }
0xb: {  	[smem:$0x3FB2] =	sst s3  }
0xc: {  	[smem:$0x3FB3] =	sst s4  }
0xd: {  	[smem:$0x3FB4] =	sst s5  }
0xe: {  	[smem:$0x3FB5] =	sst s6  }
0xf: {  	[smem:$0x3FB6] =	sst s7  }
0x10: {  	[smem:$0x3FB7] =	sst s8  }
0x11: {  	[smem:$0x3FB8] =	sst s9;
	s0 =	simm.s32 @!p0 $0x0  }
0x12: {  	s1 =	sld [smem:$0x3F9E];
	s0 =	simm.s32 @p0 $0x1  }
0x13: {  	[smem:$0x3FB9] =	sst s0;
	s0 =	simm.s32 @!p1 $0x0  }
0x14: {  	s2 =	sld [smem:$0x3F9D];
	s0 =	simm.s32 @p1 $0x1  }
0x15: {  	[smem:$0x3FBA] =	sst s0;
	s0 =	simm.s32 @!p2 $0x0  }
0x16: {  	s3 =	sld [smem:$0x3FDB];
	s0 =	simm.s32 @p2 $0x1  }
0x17: {  	s4 =	simm.s32 $0x1BF5;
	[smem:$0x3FBC] =	sst s0  }
0x18: {  	s0 =	sld [smem:$0x3F9F];
	_ =	swait.ge [sflag:s4], $0x0  }
0x19: {  	s7 =	sld [smem:$0x3FA0]  }
0x1a: {  	s8 =	sadd.s32 $0xFFFFE003, lr  }
0x1b: {  	s9 =	sadd.s32 $0xFFFFFEF7, lr;
	s5 =	simm.s32 $0xFFFFFFFF;
	p2 =	slt.u32 s8, $0xFFFFF086  }
0x1c: {  	p1 =	slt.u32 s9, $0xF7A;
	s5 =	simm.s32 @!p2 $0x0  }
0x1d: {  	s5 =	simm.s32 @p1 $0x1;
	p0 =	seq.s32 s7, s2  }
0x1e: {  	s7 =	smul.u32 @!p0 $0xF7A, s2;
	p2 =	seq.s32 @!p0 s5, $0x0  }
0x1f: {  	s9 =	smul.u32 $0xF7A, s1;
	s8 =	simm.s32 @!p0 $0x1BF5;
	p2 =	por !p2, p0  }
0x20: {  	[sflag:s8] =	ssyncset.s32 @!p0 $0xFFFFF086;
	s6 =	sadd.s32 @!p0 s3, s7;
	s7 =	simm.s32 @!p0 $0x108  }
0x21: {  	s3 =	sadd.s32 s3, s9;
	s6 =	sadd.s32 @!p0 $0x88, s6;
	s7 =	simm.s32 @p2 $0x1082  }
0x22: {  	[simem:s7], [sflag:s8] =	dma.local @!p0 [hbm:s6], $0xF7A  }
0x23: {  	s9 =	sor.u32 $0xD0000000, s2;
	s6 =	simm.s32 $0x108;
	_ =	swait.ge @!p0 [sflag:s8], $0x0  }
0x24: {  	s3 =	sadd.s32 $0x88, s3;
	s6 =	simm.s32 @!p1 $0x1082;
	[sflag:s4] =	ssyncset.s32 $0xFFFFF086  }
0x25: {  	[simem:s6], [sflag:s4] =	dma.local [hbm:s3], $0xF7A  }
0x26: {  	[smem:$0x3FA0] =	sst s1;
	(tag) =	ssettag s2;
	_ =	strace s9  }
0x27: {  	s1 =	sld [smem:$0x3FB0]  }
0x28: {  	s2 =	sld [smem:$0x3FB1]  }
0x29: {  	s4 =	sld [smem:$0x3FB3]  }
0x2a: {  	p0 =	seq.s32 s5, $0x0;
	s5 =	sld [smem:$0x3FB4]  }
0x2b: {  	s6 =	sld [smem:$0x3FB5]  }
0x2c: {  	s7 =	sld [smem:$0x3FB6]  }
0x2d: {  	s3 =	simm.s32 $0x108;
	s8 =	sld [smem:$0x3FB7]  }
0x2e: {  	s3 =	simm.s32 @!p0 $0x1082;
	s9 =	sld [smem:$0x3FB8]  }
0x2f: {  	lr =	sadd.s32 s0, s3;
	s0 =	sld [smem:$0x3FAF]  }
0x30: {  	s3 =	sld [smem:$0x3FB2]  }
0x31: {  	[smem:$0x3FBB] =	sst s10  }
0x32: {  	s10 =	sld [smem:$0x3FB9];
	_ =	sdelay $0x3  }
0x33: {  	p0 =	seq.s32 s10, $0x1;
	s10 =	sld [smem:$0x3FBB];
	_ =	sdelay $0x3  }
0x34: {  	[smem:$0x3FBB] =	sst s10  }
0x35: {  	s10 =	sld [smem:$0x3FBA];
	_ =	sdelay $0x3  }
0x36: {  	p1 =	seq.s32 s10, $0x1;
	s10 =	sld [smem:$0x3FBB];
	_ =	sdelay $0x3  }
0x37: {  	[smem:$0x3FBB] =	sst s10  }
0x38: {  	s10 =	sld [smem:$0x3FBC]  }
0x39: {  	_ = 	snop;
	(pc) =	sbr.ind lr, $3  }
0x3a: {  	_ = 	snop  }
0x3b: {  	_ = 	snop  }
0x3c: {  	p2 =	seq.s32 s10, $0x1;
	s10 =	sld [smem:$0x3FBB]  }
0x3d: {  	_ =	shalt  }
0x3e: {  	_ =	shalt  }
0x3f: {  	_ =	shalt  }
0x40: {  	_ =	shalt  }
0x41: {  	_ =	shalt  }
0x42: {  	_ =	shalt  }
0x43: {  	_ =	shalt  }
0x44: {  	_ =	shalt  }
0x45: {  	_ =	shalt  }
0x46: {  	_ =	shalt  }
0x47: {  	_ =	shalt  }
0x48: {  	_ =	shalt  }
0x49: {  	_ =	shalt  }
0x4a: {  	_ =	shalt  }
0x4b: {  	_ =	shalt  }
0x4c: {  	_ =	shalt  }
0x4d: {  	_ =	shalt  }
0x4e: {  	_ =	shalt  }
0x4f: {  	_ =	shalt  }
0x50: {  	_ =	shalt  }
0x51: {  	_ =	shalt  }
0x52: {  	_ =	shalt  }
0x53: {  	_ =	shalt  }
0x54: {  	_ =	shalt  }
0x55: {  	_ =	shalt  }
0x56: {  	_ =	shalt  }
0x57: {  	_ =	shalt  }
0x58: {  	_ =	shalt  }
0x59: {  	_ =	shalt  }
0x5a: {  	_ =	shalt  }
0x5b: {  	_ =	shalt  }
0x5c: {  	_ =	shalt  }
0x5d: {  	_ =	shalt  }
0x5e: {  	_ =	shalt  }
0x5f: {  	_ =	shalt  }
0x60: {  	_ =	shalt  }
0x61: {  	_ =	shalt  }
0x62: {  	_ =	shalt  }
0x63: {  	_ =	shalt  }
0x64: {  	_ =	shalt  }
0x65: {  	_ =	shalt  }
0x66: {  	_ =	shalt  }
0x67: {  	_ =	shalt  }
0x68: {  	_ =	shalt  }
0x69: {  	_ =	shalt  }
0x6a: {  	_ =	shalt  }
0x6b: {  	_ =	shalt  }
0x6c: {  	_ =	shalt  }
0x6d: {  	_ =	shalt  }
0x6e: {  	_ =	shalt  }
0x6f: {  	_ =	shalt  }
0x70: {  	_ =	shalt  }
0x71: {  	_ =	shalt  }
0x72: {  	_ =	shalt  }
0x73: {  	_ =	shalt  }
0x74: {  	_ =	shalt  }
0x75: {  	_ =	shalt  }
0x76: {  	_ =	shalt  }
0x77: {  	_ =	shalt  }
0x78: {  	_ =	shalt  }
0x79: {  	_ =	shalt  }
0x7a: {  	_ =	shalt  }
0x7b: {  	_ =	shalt  }
0x7c: {  	_ =	shalt  }
0x7d: {  	_ =	shalt  }
0x7e: {  	_ =	shalt  }
0x7f: {  	_ =	shalt  }
0x80: {  	_ =	shalt  }
0x81: {  	_ =	shalt  }
0x82: {  	_ =	shalt  }
0x83: {  	_ =	shalt  }
0x84: {  	_ =	shalt  }
0x85: {  	_ =	shalt  }
0x86: {  	_ =	shalt  }
0x87: {  	_ =	shalt  }
.Lfunc_end0:
.L_simem_size_0:
called_computation_lowered:
.L_overlay_start_0:
0x88: {  	s2 =	sld [smem:$0x3FD9]  }
0x89: {  	s3 =	sld [smem:$0x3FFE];
	_ =	sdelay $0x1  }
0x8a: {  	s1 =	srdreg.scid  }
0x8b: {  	s0 =	sand.u32 $0x1, s1  }
0x8c: {  	s18 =	sshll.u32 s0, $0xA;
	s2 =	sadd.s32 s3, s2  }
0x8d: {  	s2 =	sadd.s32 s2, s18  }
0x8e: {  	[smem:$0x3FC7] =	sst s2  }
0x8f: {  	_ = 	snop  }
0x90: {  	s2 =	sld [smem:$0x3FC9]  }
0x91: {  	s19 =	sld [smem:$0x3FD0];
	(tm) =	ssettm $0x1  }
0x92: {  	s4 =	sld [smem:$0x3FFB];
	_ =	sdelay $0x3  }
0x93: {  	_ =	strace s4  }
0x94: {  	s4 =	sld [smem:$0x3FFC];
	_ =	sdelay $0x3  }
0x95: {  	_ =	strace s4  }
0x96: {  	s4 =	sld [smem:$0x3FFD];
	_ =	sdelay $0x3  }
0x97: {  	_ =	strace s4  }
0x98: {  	_ =	strace $0x8FFFFFFF  }
0x99: {  	s20 =	sld [smem:$0x3FDB];
	_ =	sdelay $0x1  }
0x9a: {  	s5 =	simm.s32 $_scs_section_size  }
0x9b: {  	s6 =	simm.s32 $_size__tile_overlayer_lowered;
	s7 =	simm.s32 $_tile_overlayer_lowered  }
0x9c: {  	s23 =	simm.s32 $0x1BFF;
	s22 =	sshll.u32 s7, $0x1;
	s4 =	sadd.s32 s5, s20  }
0x9d: {  	s8 =	simm.s32 $0x0;
	s21 =	sshll.u32 s6, $0x1;
	s6 =	sadd.s32 s22, s4  }
0x9e: {  	[timem:s8], [sflag:s23] =	dma.local [hbm:s6], s21  }
0x9f: {  	_ =	swait.ge [sflag:s23], s21  }
0xa0: {  	s5 =	ssub.s32 $0x0, s21;
	[sflag:s23] =	ssyncset.done $0x0  }
0xa1: {  	[sflag:s23] =	ssyncadd.s32 s5;
	_ =	sdelay $0x1  }
0xa2: {  	s24 =	simm.s32 $0x1B8B  }
0xa3: {  	_ =	swait.ge [sflag:s24], $0x1  }
0xa4: {  	[sflag:s24] =	ssyncset.done $0x0  }
0xa5: {  	s25 =	simm.s32 $0x1B8E;
	[sflag:s24] =	ssyncadd.s32 $0xFFFFFFFF  }
0xa6: {  	s26 =	simm.s32 $execute0_lowered;
	[smem:$0x3FD2] =	sst s25  }
0xa7: {  	s5 =	sshll.u32 s26, $0x1;
	_ =	strace $0x80000046;
	[dreg:$0x1] =	wrdreg $0xFFFFFFFF  }
0xa8: {  	s28 =	simm.s32 $_size_execute0_lowered;
	s4 =	sadd.s32 s4, s5;
	[dreg:$0x0] =	wrdreg $0x0  }
0xa9: {  	s5 =	sshll.u32 s28, $0x1;
	[dreg:$0x2] =	wrdreg s4  }
0xaa: {  	[dreg:$0x3] =	wrdreg s5  }
0xab: {  	[dreg:$0x4] =	wrdreg $0xC0  }
0xac: {  	_ =	task [dreg:s8], $0x5FFFF  }
0xad: {  	[dreg:$0x1] =	wrdreg $0xFFFFFFFF  }
0xae: {  	[dreg:$0x0] =	wrdreg $0x60  }
0xaf: {  	[dreg:$0x2] =	wrdreg s2  }
0xb0: {  	[dreg:$0x3] =	wrdreg s19  }
0xb1: {  	[dreg:$0x4] =	wrdreg $0x38000  }
0xb2: {  	[dreg:$0x5] =	wrdreg $0x9  }
0xb3: {  	_ =	task.clear_ibuf [dreg:s8], $0x6FFFF;
	_ =	strace $0x90000046  }
0xb4: {  	s29 =	simm.s32 $0x9;
	_ =	strace $0x80000048  }
0xb5: {  	_ =	swait.ge [sflag:s29], $0x1  }
0xb6: {  	[sflag:s29] =	ssyncadd.s32 $0xFFFFFFFF  }
0xb7: {  	_ =	strace $0x90000048  }
0xb8: {  	_ =	sfence  }
0xb9: {  	s30 =	sld [smem:$0x0];
	_ =	sdelay $0x2  }
0xba: {  	s31 =	sshll.u32 s1, $0xD;
	s1 =	sshrl.u32 s1, $0x2  }
0xbb: {  	s3 =	sand.u32 $0x4000, s31;
	s1 =	sadd.s32 s1, s30  }
0xbc: {  	s0 =	sor.u32 s3, s0;
	s1 =	sshll.u32 s1, $0x11  }
0xbd: {  	s0 =	sor.u32 s1, s0  }
0xbe: {  	s0 =	sadd.s32 $0x8F2B, s0  }
0xbf: {  	[sflag:s0] =	ssyncadd.remote.s32 $0x1  }
0xc0: {  	_ =	sfence.sel $0xFFFF  }
0xc1: {  	[dreg:$0x0] =	wrdreg $0xFFFFFFFF;
	(pc) =	sbr.abs _section_cstart, $3  }
0xc2: {  	[dreg:$0x1] =	wrdreg $0xFFFFFFFF  }
0xc3: {  	_ =	task.clear_ibuf [dreg:s8], $0x2FFFF;
	_ =	strace $0x9FFFFFFF  }
0xc4: {  	(tm) =	ssettm $0x7FFFFFFF  }
0xc5: {  	_ =	shalt  }
tec
execute0_lowered:
.L_overlay_start_1:
0x0: {  	(tag) =	ssettag $0x1  }
0x1: {  	s6 =	rddreg [dreg:$0x0]  }
0x2: {  	s7 =	rddreg [dreg:$0x1]  }
0x3: {  	s2 =	rddreg [dreg:$0x2]  }
0x4: {  	s0 =	rddreg [dreg:$0x3]  }
0x5: {  	s3 =	simm.s32 $0x0;
	s4 =	srdreg.scid;
	s1 =	stileid.u32  }
0x6: {  	s13 =	simm.s32 $0x2;
	s14 =	simm.s32 $0x80;
	s15 =	simm.s32 $0x2800  }
0x7: {  	s16 =	simm.s32 $0x1;
	s19 =	simm.s32 $0x0;
	[smem:$0x7FF] =	sst s3  }
0x8: {  	s4 =	sand.u32 $0x1, s4;
	s5 =	smul.u32 $0x9E00, s1;
	s8 =	sshll.u32 s1, $0x1  }
0x9: {  	s31 =	smul.u32 $0x2780, s1;
	s17 =	sshll.u32 s1, $0x6;
	_ =	strace $0x80000047  }
0xa: {  	s9 =	smul.u32 $0x27800, s4;
	s10 =	ssub.s32 $0x2, s4;
	s4 =	sor.u32 s4, s8  }
0xb: {  	s17 =	sor.u32 $0x1C02, s17;
	s11 =	sshrl.u32 s10, $0x1;
	s5 =	sshrl.u32 s5, $0x2  }
0xc: {  	s12 =	smul.u32 $0x500, s4;
	s18 =	sadd.s32 s31, s2;
	s10 =	ssub.s32 s10, s11  }
0xd: {  	s4 =	sadd.s32 s5, s2;
	s9 =	sadd.s32 s31, s9;
	s18 =	sshrl.u32 s18, $0x3  }
0xe: {  	s5 =	sadd.s32 $0x2000, s4;
	s6 =	sadd.s32 s6, s12;
	s9 =	sshrl.u32 s9, $0x3  }
0xf: {  	s8 =	smax.u32 s10, $0x1;
	s10 =	sadd.s32 $0x1000, s4;
	s11 =	sadd.s32 $0x1800, s4  }
0x10: {  	v0 =	vimm.f32 $1.000000000e+00;
	v1 =	vimm.f32 $0.0e+00;
	s12 =	simm.s32 $0x3000;
	s7 =	sadd.s32 s7, s9;
	s9 =	sadd.s32 $0x800, s4  }
.LBB2_1:
0x11: {  	[tilespmem:$0x2800] =	vst v0  }
0x12: {  	[tilespmem:$0x2810] =	vst v0  }
0x13: {  	[tilespmem:$0x2820] =	vst v0  }
0x14: {  	[tilespmem:$0x2830] =	vst v0  }
0x15: {  	[tilespmem:$0x2840] =	vst v0  }
0x16: {  	[tilespmem:$0x2850] =	vst v0  }
0x17: {  	[tilespmem:$0x2860] =	vst v0  }
0x18: {  	[tilespmem:$0x2870] =	vst v0  }
0x19: {  	[tilespmem:$0x2880] =	vst v0  }
0x1a: {  	[tilespmem:$0x2890] =	vst v0  }
0x1b: {  	[tilespmem:$0x28A0] =	vst v0  }
0x1c: {  	[tilespmem:$0x28B0] =	vst v0  }
0x1d: {  	[tilespmem:$0x28C0] =	vst v0  }
0x1e: {  	[tilespmem:$0x28D0] =	vst v0  }
0x1f: {  	[tilespmem:$0x28E0] =	vst v0  }
0x20: {  	[tilespmem:$0x28F0] =	vst v0  }
0x21: {  	[tilespmem:$0x3000] =	vst v1  }
0x22: {  	[tilespmem:$0x3010] =	vst v1  }
0x23: {  	[tilespmem:$0x3020] =	vst v1  }
0x24: {  	[tilespmem:$0x3030] =	vst v1  }
0x25: {  	[tilespmem:$0x3040] =	vst v1  }
0x26: {  	[tilespmem:$0x3050] =	vst v1  }
0x27: {  	[tilespmem:$0x3060] =	vst v1  }
0x28: {  	[tilespmem:$0x3070] =	vst v1  }
0x29: {  	[tilespmem:$0x3080] =	vst v1  }
0x2a: {  	[tilespmem:$0x3090] =	vst v1  }
0x2b: {  	[tilespmem:$0x30A0] =	vst v1  }
0x2c: {  	[tilespmem:$0x30B0] =	vst v1  }
0x2d: {  	[tilespmem:$0x30C0] =	vst v1  }
0x2e: {  	[tilespmem:$0x30D0] =	vst v1  }
0x2f: {  	[tilespmem:$0x30E0] =	vst v1  }
0x30: {  	[tilespmem:$0x30F0] =	vst v1  }
0x31: {  	[tilespmem:$0x2900] =	vst v0  }
0x32: {  	[tilespmem:$0x2910] =	vst v0  }
0x33: {  	[tilespmem:$0x2920] =	vst v0  }
0x34: {  	[tilespmem:$0x2930] =	vst v0  }
0x35: {  	[tilespmem:$0x2940] =	vst v0  }
0x36: {  	[tilespmem:$0x2950] =	vst v0  }
0x37: {  	[tilespmem:$0x2960] =	vst v0  }
0x38: {  	[tilespmem:$0x2970] =	vst v0  }
0x39: {  	[tilespmem:$0x2980] =	vst v0  }
0x3a: {  	[tilespmem:$0x2990] =	vst v0  }
0x3b: {  	[tilespmem:$0x29A0] =	vst v0  }
0x3c: {  	[tilespmem:$0x29B0] =	vst v0  }
0x3d: {  	[tilespmem:$0x29C0] =	vst v0  }
0x3e: {  	[tilespmem:$0x29D0] =	vst v0  }
0x3f: {  	[tilespmem:$0x29E0] =	vst v0  }
0x40: {  	[tilespmem:$0x29F0] =	vst v0  }
0x41: {  	[tilespmem:$0x3100] =	vst v1  }
0x42: {  	[tilespmem:$0x3110] =	vst v1  }
0x43: {  	[tilespmem:$0x3120] =	vst v1  }
0x44: {  	[tilespmem:$0x3130] =	vst v1  }
0x45: {  	[tilespmem:$0x3140] =	vst v1  }
0x46: {  	[tilespmem:$0x3150] =	vst v1  }
0x47: {  	[tilespmem:$0x3160] =	vst v1  }
0x48: {  	[tilespmem:$0x3170] =	vst v1  }
0x49: {  	[tilespmem:$0x3180] =	vst v1  }
0x4a: {  	[tilespmem:$0x3190] =	vst v1  }
0x4b: {  	[tilespmem:$0x31A0] =	vst v1  }
0x4c: {  	[tilespmem:$0x31B0] =	vst v1  }
0x4d: {  	[tilespmem:$0x31C0] =	vst v1  }
0x4e: {  	[tilespmem:$0x31D0] =	vst v1  }
0x4f: {  	[tilespmem:$0x31E0] =	vst v1  }
0x50: {  	[tilespmem:$0x31F0] =	vst v1  }
0x51: {  	[tilespmem:$0x2A00] =	vst v0  }
0x52: {  	[tilespmem:$0x2A10] =	vst v0  }
0x53: {  	[tilespmem:$0x2A20] =	vst v0  }
0x54: {  	[tilespmem:$0x2A30] =	vst v0  }
0x55: {  	[tilespmem:$0x2A40] =	vst v0  }
0x56: {  	[tilespmem:$0x2A50] =	vst v0  }
0x57: {  	[tilespmem:$0x2A60] =	vst v0  }
0x58: {  	[tilespmem:$0x2A70] =	vst v0  }
0x59: {  	[tilespmem:$0x2A80] =	vst v0  }
0x5a: {  	[tilespmem:$0x2A90] =	vst v0  }
0x5b: {  	[tilespmem:$0x2AA0] =	vst v0  }
0x5c: {  	[tilespmem:$0x2AB0] =	vst v0  }
0x5d: {  	[tilespmem:$0x2AC0] =	vst v0  }
0x5e: {  	[tilespmem:$0x2AD0] =	vst v0  }
0x5f: {  	[tilespmem:$0x2AE0] =	vst v0  }
0x60: {  	[tilespmem:$0x2AF0] =	vst v0  }
0x61: {  	[tilespmem:$0x3200] =	vst v1  }
0x62: {  	[tilespmem:$0x3210] =	vst v1  }
0x63: {  	[tilespmem:$0x3220] =	vst v1  }
0x64: {  	[tilespmem:$0x3230] =	vst v1  }
0x65: {  	[tilespmem:$0x3240] =	vst v1  }
0x66: {  	[tilespmem:$0x3250] =	vst v1  }
0x67: {  	[tilespmem:$0x3260] =	vst v1  }
0x68: {  	[tilespmem:$0x3270] =	vst v1  }
0x69: {  	[tilespmem:$0x3280] =	vst v1  }
0x6a: {  	[tilespmem:$0x3290] =	vst v1  }
0x6b: {  	[tilespmem:$0x32A0] =	vst v1  }
0x6c: {  	[tilespmem:$0x32B0] =	vst v1  }
0x6d: {  	[tilespmem:$0x32C0] =	vst v1  }
0x6e: {  	[tilespmem:$0x32D0] =	vst v1  }
0x6f: {  	[tilespmem:$0x32E0] =	vst v1  }
0x70: {  	[tilespmem:$0x32F0] =	vst v1  }
0x71: {  	[tilespmem:$0x2B00] =	vst v0  }
0x72: {  	[tilespmem:$0x2B10] =	vst v0  }
0x73: {  	[tilespmem:$0x2B20] =	vst v0  }
0x74: {  	[tilespmem:$0x2B30] =	vst v0  }
0x75: {  	[tilespmem:$0x2B40] =	vst v0  }
0x76: {  	[tilespmem:$0x2B50] =	vst v0  }
0x77: {  	[tilespmem:$0x2B60] =	vst v0  }
0x78: {  	[tilespmem:$0x2B70] =	vst v0  }
0x79: {  	[tilespmem:$0x2B80] =	vst v0  }
0x7a: {  	[tilespmem:$0x2B90] =	vst v0  }
0x7b: {  	[tilespmem:$0x2BA0] =	vst v0  }
0x7c: {  	[tilespmem:$0x2BB0] =	vst v0  }
0x7d: {  	[tilespmem:$0x2BC0] =	vst v0  }
0x7e: {  	[tilespmem:$0x2BD0] =	vst v0  }
0x7f: {  	[tilespmem:$0x2BE0] =	vst v0  }
0x80: {  	[tilespmem:$0x2BF0] =	vst v0  }
0x81: {  	[tilespmem:$0x3300] =	vst v1  }
0x82: {  	[tilespmem:$0x3310] =	vst v1  }
0x83: {  	[tilespmem:$0x3320] =	vst v1  }
0x84: {  	[tilespmem:$0x3330] =	vst v1  }
0x85: {  	[tilespmem:$0x3340] =	vst v1  }
0x86: {  	[tilespmem:$0x3350] =	vst v1  }
0x87: {  	[tilespmem:$0x3360] =	vst v1  }
0x88: {  	[tilespmem:$0x3370] =	vst v1  }
0x89: {  	[tilespmem:$0x3380] =	vst v1  }
0x8a: {  	[tilespmem:$0x3390] =	vst v1  }
0x8b: {  	[tilespmem:$0x33A0] =	vst v1  }
0x8c: {  	[tilespmem:$0x33B0] =	vst v1  }
0x8d: {  	[tilespmem:$0x33C0] =	vst v1  }
0x8e: {  	[tilespmem:$0x33D0] =	vst v1  }
0x8f: {  	[tilespmem:$0x33E0] =	vst v1  }
0x90: {  	[tilespmem:$0x33F0] =	vst v1  }
0x91: {  	[tilespmem:$0x2C00] =	vst v0  }
0x92: {  	[tilespmem:$0x2C10] =	vst v0  }
0x93: {  	[tilespmem:$0x2C20] =	vst v0  }
0x94: {  	[tilespmem:$0x2C30] =	vst v0  }
0x95: {  	[tilespmem:$0x2C40] =	vst v0  }
0x96: {  	[tilespmem:$0x2C50] =	vst v0  }
0x97: {  	[tilespmem:$0x2C60] =	vst v0  }
0x98: {  	[tilespmem:$0x2C70] =	vst v0  }
0x99: {  	[tilespmem:$0x2C80] =	vst v0  }
0x9a: {  	[tilespmem:$0x2C90] =	vst v0  }
0x9b: {  	[tilespmem:$0x2CA0] =	vst v0  }
0x9c: {  	[tilespmem:$0x2CB0] =	vst v0  }
0x9d: {  	[tilespmem:$0x2CC0] =	vst v0  }
0x9e: {  	[tilespmem:$0x2CD0] =	vst v0  }
0x9f: {  	[tilespmem:$0x2CE0] =	vst v0  }
0xa0: {  	[tilespmem:$0x2CF0] =	vst v0  }
0xa1: {  	[tilespmem:$0x3400] =	vst v1  }
0xa2: {  	[tilespmem:$0x3410] =	vst v1  }
0xa3: {  	[tilespmem:$0x3420] =	vst v1  }
0xa4: {  	[tilespmem:$0x3430] =	vst v1  }
0xa5: {  	[tilespmem:$0x3440] =	vst v1  }
0xa6: {  	[tilespmem:$0x3450] =	vst v1  }
0xa7: {  	[tilespmem:$0x3460] =	vst v1  }
0xa8: {  	[tilespmem:$0x3470] =	vst v1  }
0xa9: {  	[tilespmem:$0x3480] =	vst v1  }
0xaa: {  	[tilespmem:$0x3490] =	vst v1  }
0xab: {  	[tilespmem:$0x34A0] =	vst v1  }
0xac: {  	[tilespmem:$0x34B0] =	vst v1  }
0xad: {  	[tilespmem:$0x34C0] =	vst v1  }
0xae: {  	[tilespmem:$0x34D0] =	vst v1  }
0xaf: {  	[tilespmem:$0x34E0] =	vst v1  }
0xb0: {  	[tilespmem:$0x34F0] =	vst v1  }
0xb1: {  	[tilespmem:$0x2D00] =	vst v0  }
0xb2: {  	[tilespmem:$0x2D10] =	vst v0  }
0xb3: {  	[tilespmem:$0x2D20] =	vst v0  }
0xb4: {  	[tilespmem:$0x2D30] =	vst v0  }
0xb5: {  	[tilespmem:$0x2D40] =	vst v0  }
0xb6: {  	[tilespmem:$0x2D50] =	vst v0  }
0xb7: {  	[tilespmem:$0x2D60] =	vst v0  }
0xb8: {  	[tilespmem:$0x2D70] =	vst v0  }
0xb9: {  	[tilespmem:$0x2D80] =	vst v0  }
0xba: {  	[tilespmem:$0x2D90] =	vst v0  }
0xbb: {  	[tilespmem:$0x2DA0] =	vst v0  }
0xbc: {  	[tilespmem:$0x2DB0] =	vst v0  }
0xbd: {  	[tilespmem:$0x2DC0] =	vst v0  }
0xbe: {  	[tilespmem:$0x2DD0] =	vst v0  }
0xbf: {  	[tilespmem:$0x2DE0] =	vst v0  }
0xc0: {  	[tilespmem:$0x2DF0] =	vst v0  }
0xc1: {  	[tilespmem:$0x3500] =	vst v1  }
0xc2: {  	[tilespmem:$0x3510] =	vst v1  }
0xc3: {  	[tilespmem:$0x3520] =	vst v1  }
0xc4: {  	[tilespmem:$0x3530] =	vst v1  }
0xc5: {  	[tilespmem:$0x3540] =	vst v1  }
0xc6: {  	[tilespmem:$0x3550] =	vst v1  }
0xc7: {  	[tilespmem:$0x3560] =	vst v1  }
0xc8: {  	[tilespmem:$0x3570] =	vst v1  }
0xc9: {  	[tilespmem:$0x3580] =	vst v1  }
0xca: {  	[tilespmem:$0x3590] =	vst v1  }
0xcb: {  	[tilespmem:$0x35A0] =	vst v1  }
0xcc: {  	[tilespmem:$0x35B0] =	vst v1  }
0xcd: {  	[tilespmem:$0x35C0] =	vst v1  }
0xce: {  	[tilespmem:$0x35D0] =	vst v1  }
0xcf: {  	[tilespmem:$0x35E0] =	vst v1  }
0xd0: {  	[tilespmem:$0x35F0] =	vst v1  }
0xd1: {  	[tilespmem:$0x2E00] =	vst v0  }
0xd2: {  	[tilespmem:$0x2E10] =	vst v0  }
0xd3: {  	[tilespmem:$0x2E20] =	vst v0  }
0xd4: {  	[tilespmem:$0x2E30] =	vst v0  }
0xd5: {  	[tilespmem:$0x2E40] =	vst v0  }
0xd6: {  	[tilespmem:$0x2E50] =	vst v0  }
0xd7: {  	[tilespmem:$0x2E60] =	vst v0  }
0xd8: {  	[tilespmem:$0x2E70] =	vst v0  }
0xd9: {  	[tilespmem:$0x2E80] =	vst v0  }
0xda: {  	[tilespmem:$0x2E90] =	vst v0  }
0xdb: {  	[tilespmem:$0x2EA0] =	vst v0  }
0xdc: {  	[tilespmem:$0x2EB0] =	vst v0  }
0xdd: {  	[tilespmem:$0x2EC0] =	vst v0  }
0xde: {  	[tilespmem:$0x2ED0] =	vst v0  }
0xdf: {  	[tilespmem:$0x2EE0] =	vst v0  }
0xe0: {  	[tilespmem:$0x2EF0] =	vst v0  }
0xe1: {  	[tilespmem:$0x3600] =	vst v1  }
0xe2: {  	[tilespmem:$0x3610] =	vst v1  }
0xe3: {  	[tilespmem:$0x3620] =	vst v1  }
0xe4: {  	[tilespmem:$0x3630] =	vst v1  }
0xe5: {  	[tilespmem:$0x3640] =	vst v1  }
0xe6: {  	[tilespmem:$0x3650] =	vst v1  }
0xe7: {  	[tilespmem:$0x3660] =	vst v1  }
0xe8: {  	[tilespmem:$0x3670] =	vst v1  }
0xe9: {  	[tilespmem:$0x3680] =	vst v1  }
0xea: {  	[tilespmem:$0x3690] =	vst v1  }
0xeb: {  	[tilespmem:$0x36A0] =	vst v1  }
0xec: {  	[tilespmem:$0x36B0] =	vst v1  }
0xed: {  	[tilespmem:$0x36C0] =	vst v1  }
0xee: {  	[tilespmem:$0x36D0] =	vst v1  }
0xef: {  	[tilespmem:$0x36E0] =	vst v1  }
0xf0: {  	[tilespmem:$0x36F0] =	vst v1  }
0xf1: {  	[tilespmem:$0x2F00] =	vst v0  }
0xf2: {  	[tilespmem:$0x2F10] =	vst v0  }
0xf3: {  	[tilespmem:$0x2F20] =	vst v0  }
0xf4: {  	[tilespmem:$0x2F30] =	vst v0  }
0xf5: {  	[tilespmem:$0x2F40] =	vst v0  }
0xf6: {  	[tilespmem:$0x2F50] =	vst v0  }
0xf7: {  	[tilespmem:$0x2F60] =	vst v0  }
0xf8: {  	[tilespmem:$0x2F70] =	vst v0  }
0xf9: {  	[tilespmem:$0x2F80] =	vst v0  }
0xfa: {  	[tilespmem:$0x2F90] =	vst v0  }
0xfb: {  	[tilespmem:$0x2FA0] =	vst v0  }
0xfc: {  	[tilespmem:$0x2FB0] =	vst v0  }
0xfd: {  	[tilespmem:$0x2FC0] =	vst v0  }
0xfe: {  	[tilespmem:$0x2FD0] =	vst v0  }
0xff: {  	[tilespmem:$0x2FE0] =	vst v0  }
0x100: {  	[tilespmem:$0x2FF0] =	vst v0  }
0x101: {  	[tilespmem:$0x3700] =	vst v1  }
0x102: {  	[tilespmem:$0x3710] =	vst v1  }
0x103: {  	[tilespmem:$0x3720] =	vst v1  }
0x104: {  	[tilespmem:$0x3730] =	vst v1  }
0x105: {  	[tilespmem:$0x3740] =	vst v1  }
0x106: {  	[tilespmem:$0x3750] =	vst v1  }
0x107: {  	[tilespmem:$0x3760] =	vst v1  }
0x108: {  	[tilespmem:$0x3770] =	vst v1  }
0x109: {  	[tilespmem:$0x3780] =	vst v1  }
0x10a: {  	[tilespmem:$0x3790] =	vst v1  }
0x10b: {  	[tilespmem:$0x37A0] =	vst v1  }
0x10c: {  	[tilespmem:$0x37B0] =	vst v1  }
0x10d: {  	[tilespmem:$0x37C0] =	vst v1  }
0x10e: {  	[tilespmem:$0x37D0] =	vst v1  }
0x10f: {  	[tilespmem:$0x37E0] =	vst v1  }
0x110: {  	[tilespmem:$0x37F0] =	vst v1  }
0x111: {  	[spmem:s4] =	stream.linear.scatter [tilespmem:s12], [sflag:$0x2], $0x800, $0x38;
	[tilespmem:$0x5F80] =	vst v63  }
0x112: {  	_ =	swait.ge [sflag:s13], $0x800  }
0x113: {  	[sflag:s13] =	ssyncset.done $0x0  }
0x114: {  	[sflag:s13] =	ssyncadd.s32 $0xFFFFF800  }
0x115: {  	[spmem:s9] =	stream.linear.scatter [tilespmem:s12], [sflag:$0x2], $0x800, $0x38;
	[tilespmem:$0x5F80] =	vst v63  }
0x116: {  	_ =	swait.ge [sflag:s13], $0x800  }
0x117: {  	[sflag:s13] =	ssyncset.done $0x0  }
0x118: {  	[sflag:s13] =	ssyncadd.s32 $0xFFFFF800  }
0x119: {  	[spmem:s10] =	stream.linear.scatter [tilespmem:s12], [sflag:$0x2], $0x800, $0x38;
	[tilespmem:$0x5F80] =	vst v63  }
0x11a: {  	_ =	swait.ge [sflag:s13], $0x800  }
0x11b: {  	[sflag:s13] =	ssyncset.done $0x0  }
0x11c: {  	[sflag:s13] =	ssyncadd.s32 $0xFFFFF800  }
0x11d: {  	[spmem:s11] =	stream.linear.scatter [tilespmem:s12], [sflag:$0x2], $0x800, $0x38;
	[tilespmem:$0x5F80] =	vst v63  }
0x11e: {  	_ =	swait.ge [sflag:s13], $0x800  }
0x11f: {  	[sflag:s13] =	ssyncset.done $0x0  }
0x120: {  	[sflag:s13] =	ssyncadd.s32 $0xFFFFF800  }
0x121: {  	[spmem:s5] =	stream.linear.scatter [tilespmem:s12], [sflag:$0x2], $0x780, $0x38;
	[tilespmem:$0x5F80] =	vst v63  }
0x122: {  	_ =	swait.ge [sflag:s13], $0x780  }
0x123: {  	[sflag:s13] =	ssyncset.done $0x0  }
0x124: {  	[sflag:s13] =	ssyncadd.s32 $0xFFFFF880  }
0x125: {  	[tilespmem:s3], [sflag:$0x2] =	stream.linear.gather [hbm4b:s6+s3], $0x2800, $0x38;
	[tilespmem:$0x5F80] =	vst v63  }
0x126: {  	_ =	swait.ge [sflag:s13], $0x2800  }
0x127: {  	[sflag:s13] =	ssyncset.done $0x0  }
0x128: {  	p0 =	por $0x1, $0x1;
	[sflag:s13] =	ssyncadd.s32 $0xFFFFD800  }
0x129: {  	s22 =	simm.s32 @!p0 $0x1;
	[bflag:$0x0] =	sbarrier.arrive $0xFFFF  }
0x12a: {  	[spmem:s2] =	stream.indirect.scatter.add.f32 [tilespmem:s15], [sflag:$0x1], $0x10, s3, s14, $0xb8;
	[tilespmem:$0x5F80] =	vst v63  }
0x12b: {  	_ =	swait.ge @!p0 [sflag:s22], $0x800  }
0x12c: {  	s20 =	simm.s32 $0x1;
	s21 =	simm.s32 $0x0;
	[sflag:s22] =	ssyncset.done @!p0 $0x0  }
.LBB2_2:
0x12d: {  	[sflag:s22] =	ssyncadd.s32 @!p0 $0xFFFFF800  }
0x12e: {  	s21 =	sadd.s32 $0x80, s21;
	s22 =	smov.u32 s20;
	s20 =	sadd.s32 $0x1, s20  }
0x12f: {  	p1 =	sne.s32 s20, $0x50  }
0x130: {  	[spmem:s2] =	stream.indirect.scatter.add.f32 [tilespmem:s15], [sflag:$0x1], $0x10, s21, s14, $0xb8;
	[tilespmem:$0x5F80] =	vst v63  }
.Ltmp0:
0x131: {  	_ = 	snop;
	(pc) =	sbr.rel @p1 .LBB2_2-.Ltmp0, $4  }
0x132: {  	p0 =	slt.u32 s22, $0x8  }
0x133: {  	s22 =	simm.s32 @!p0 $0x1  }
0x134: {  	_ =	swait.ge @!p0 [sflag:s22], $0x800  }
0x135: {  	[sflag:s22] =	ssyncset.done @!p0 $0x0  }
0x136: {  	[sflag:s22] =	ssyncadd.s32 @!p0 $0xFFFFF800  }
0x137: {  	_ =	swait.ge [sflag:s16], $0x800  }
0x138: {  	[sflag:s16] =	ssyncset.done $0x0  }
0x139: {  	[sflag:s16] =	ssyncadd.s32 $0xFFFFF800  }
0x13a: {  	_ =	swait.ge [sflag:s16], $0x800  }
0x13b: {  	[sflag:s16] =	ssyncset.done $0x0  }
0x13c: {  	[sflag:s16] =	ssyncadd.s32 $0xFFFFF800  }
0x13d: {  	_ =	swait.ge [sflag:s16], $0x800  }
0x13e: {  	[sflag:s16] =	ssyncset.done $0x0  }
0x13f: {  	[sflag:s16] =	ssyncadd.s32 $0xFFFFF800  }
0x140: {  	_ =	swait.ge [sflag:s16], $0x800  }
0x141: {  	[sflag:s16] =	ssyncset.done $0x0  }
0x142: {  	[sflag:s16] =	ssyncadd.s32 $0xFFFFF800  }
0x143: {  	_ =	swait.ge [sflag:s16], $0x800  }
0x144: {  	[sflag:s16] =	ssyncset.done $0x0  }
0x145: {  	[sflag:s16] =	ssyncadd.s32 $0xFFFFF800  }
0x146: {  	_ =	swait.ge [sflag:s16], $0x800  }
0x147: {  	[sflag:s16] =	ssyncset.done $0x0  }
0x148: {  	[sflag:s16] =	ssyncadd.s32 $0xFFFFF800  }
0x149: {  	_ =	swait.ge [sflag:s16], $0x800  }
0x14a: {  	[sflag:s16] =	ssyncset.done $0x0  }
0x14b: {  	[sflag:s16] =	ssyncadd.s32 $0xFFFFF800  }
0x14c: {  	_ =	swait.ge [sflag:s16], $0x800  }
0x14d: {  	s19 =	sadd.s32 $0x1, s19;
	[sflag:s16] =	ssyncset.done $0x0  }
0x14e: {  	p0 =	sne.s32 s19, s8;
	[sflag:s16] =	ssyncadd.s32 $0xFFFFF800  }
.Ltmp1:
0x14f: {  	[bflag:$0x0] =	sbarrier.arrive $0xFFFF;
	(pc) =	sbr.rel @p0 .LBB2_1-.Ltmp1, $4  }
0x150: {  	[hbm:s7], [sflag:s17] =	dma.local [spmem:s18], $0x4F0  }
0x151: {  	_ =	swait.ge [sflag:s13], $0x4F0  }
0x152: {  	[sflag:s13] =	ssyncset.done $0x0  }
0x153: {  	[sflag:s13] =	ssyncadd.s32 $0xFFFFFB10  }
0x154: {  	_ =	sfence.sel $0x180000  }
0x155: {  	[bflag:$0x0] =	sbarrier.arrive $0xFFFF  }
0x156: {  	p0 =	sne.s32 s1, $0x0;
	_ =	strace $0x90000047  }
0x157: {  	s0 =	sadd.s32 @!p0 $0x100000, s0;
	[bflag:$0x2] =	sbarrier.arrive $0xFFFF  }
0x158: {  	[sflag:s0] =	ssyncadd.tile.s32 @!p0 $0x1;
	_ =	shalt  }
.Lfunc_end2:
_tile_overlayer_lowered:
.L_overlay_start_2:
0x159: {  	(tag) =	ssettag $0x2  }
0x15a: {  	s0 =	rddreg [dreg:$0x0];
	s2 =	stileid.u32  }
0x15b: {  	s1 =	rddreg [dreg:$0x1];
	p0 =	sne.s32 s2, $0x0  }
0x15c: {  	s3 =	rddreg [dreg:$0x2];
	[bflag:$0x3] =	sbarrier.arrive $0xFFFF;
	s2 =	simm.s32 @!p0 $0x1C02  }
0x15d: {  	[timem:s3], [sflag:s2] =	dma.local @!p0 [hbm:s0], s1  }
0x15e: {  	s0 =	simm.s32 @!p0 $0x2  }
0x15f: {  	_ =	swait.ge @!p0 [sflag:s0], s1  }
0x160: {  	s1 =	ssub.s32 @!p0 $0x0, s1;
	[sflag:s0] =	ssyncset.done @!p0 $0x0  }
0x161: {  	[sflag:s0] =	ssyncadd.s32 @!p0 s1  }
0x162: {  	[bflag:$0x3] =	sbarrier.arrive $0xFFFF  }
0x163: {  	_ =	shalt  }

</sc_bundles>
